<compile_context>
chip_gen: v7x
topology: tpu7x:2x2x1
jax: 0.10.2.dev20260603
libtpu: 0.0.44.dev20260713+nightly
codegen_flags: <defaults>
</compile_context>

<pallas_src>
import functools

import jax
import jax.numpy as jnp
from jax import lax
from jax.experimental import pallas as pl
from jax.experimental.pallas import tpu as pltpu
from jax.experimental.pallas import tpu_sc as plsc

VOCAB_SIZE = 100000
HIDDEN = 128
BATCH = 4096
SEQ = 200
MAX_POS = 512

NC = 2
NS = 16
NW = NC * NS

TOTAL = BATCH * SEQ
ROWS_PER_W = TOTAL // NW
CHUNK = 200
NGROUPS = ROWS_PER_W // CHUNK
NSLOT = 4
NITER = NGROUPS // NSLOT


def _body(ids_hbm, tab_hbm, pos_hbm, out_hbm, pos_out_hbm,
          idx_v, s0, s1, s2, s3,
          g0_, g1_, g2_, g3_, w0_, w1_, w2_, w3_):
    slots = (s0, s1, s2, s3)
    gsems = (g0_, g1_, g2_, g3_)
    wsems = (w0_, w1_, w2_, w3_)
    c = lax.axis_index("c")
    s = lax.axis_index("s")
    wid = s * NC + c
    b0 = s0

    @pl.when(wid == 0)
    def _():
        pltpu.sync_copy(pos_hbm.at[pl.ds(0, 128)], b0.at[pl.ds(0, 128)])
        pltpu.sync_copy(b0.at[pl.ds(0, 128)], pos_out_hbm.at[pl.ds(0, 128)])

    @pl.when(wid == 1)
    def _():
        pltpu.sync_copy(pos_hbm.at[pl.ds(128, 72)], b0.at[pl.ds(0, 72)])
        pltpu.sync_copy(b0.at[pl.ds(0, 72)], pos_out_hbm.at[pl.ds(128, 72)])

    pltpu.sync_copy(ids_hbm.at[pl.ds(wid * ROWS_PER_W, ROWS_PER_W)], idx_v)

    out_base = wid * ROWS_PER_W

    def fire_gather(g, u):
        pltpu.async_copy(tab_hbm.at[idx_v.at[pl.ds(g * CHUNK, CHUNK)]],
                         slots[u], gsems[u])

    def wait_gather(u):
        pltpu.make_async_copy(tab_hbm.at[idx_v.at[pl.ds(0, CHUNK)]],
                              slots[u], gsems[u]).wait()

    def fire_write(g, u):
        pltpu.async_copy(slots[u], out_hbm.at[pl.ds(out_base + g * CHUNK, CHUNK)],
                         wsems[u])

    def wait_write(u):
        pltpu.make_async_copy(slots[u], out_hbm.at[pl.ds(out_base, CHUNK)],
                              wsems[u]).wait()

    for u in range(3):
        fire_gather(u, u)

    def step(i, carry):
        for u in range(NSLOT):
            t = i * NSLOT + u
            wait_gather(u)
            fire_write(t, u)

            @pl.when(t >= 1)
            def _():
                wait_write((u + 3) % NSLOT)

            @pl.when(t + 3 < NGROUPS)
            def _():
                fire_gather(t + 3, (u + 3) % NSLOT)
        return carry

    lax.fori_loop(0, NITER, step, 0)
    wait_write((NGROUPS - 1) % NSLOT)


@functools.partial(jax.jit, static_argnums=())
def kernel(ids, ids_table, pos_table):
    ids_flat = ids.reshape(TOTAL).astype(jnp.int32)
    mesh = plsc.VectorSubcoreMesh(core_axis_name="c", subcore_axis_name="s")
    run = pl.kernel(
        _body,
        out_type=(
            jax.ShapeDtypeStruct((TOTAL, HIDDEN), jnp.float32),
            jax.ShapeDtypeStruct((SEQ, HIDDEN), jnp.float32),
        ),
        mesh=mesh,
        scratch_types=(
            [pltpu.VMEM((ROWS_PER_W,), jnp.int32)]
            + [pltpu.VMEM((CHUNK, HIDDEN), jnp.float32)] * NSLOT
            + [pltpu.SemaphoreType.DMA] * (2 * NSLOT)
        ),
    )
    out, pos_out = run(ids_flat, ids_table, pos_table)
    return (out.reshape(BATCH, SEQ, HIDDEN), pos_out.reshape(1, SEQ, HIDDEN))

# --- scband reference (transcript-rebuilt; emitter-appended) ---
"""Pipeline reference for scband-transformer-embeddings-3573412790815 (READ-ONLY COPY).

The authoritative reference and input builder live on the scoring server;
editing this copy changes nothing except your own understanding.
"""

import jax, jax.numpy as jnp
import numpy as np

VOCAB_SIZE = 100000
HIDDEN_SIZE = 128
MAX_POS = 512
BATCH = 4096
SEQ = 200
PAD_TOKEN_ID = 0


def setup_inputs(seed: int = 0) -> dict:
    key = jax.random.key(seed)
    k_ids, k_tab, k_pos = jax.random.split(key, 3)
    ids = jax.random.randint(k_ids, (BATCH, SEQ), 0, VOCAB_SIZE, dtype=jnp.int64 if jax.config.jax_enable_x64 else jnp.int32)
    ids_table = jax.random.normal(k_tab, (VOCAB_SIZE, HIDDEN_SIZE), dtype=jnp.float32) * 0.02
    # padding_idx row is initialized to zero in torch nn.Embedding
    ids_table = ids_table.at[PAD_TOKEN_ID].set(0.0)
    pos_table = jax.random.normal(k_pos, (MAX_POS, HIDDEN_SIZE), dtype=jnp.float32) * 0.02
    return {"ids": ids, "ids_table": ids_table, "pos_table": pos_table}


def reference(ids, ids_table, pos_table):
    # ids_embed = self.ids_embedding(ids)
    ids_embed = jnp.take(ids_table, ids, axis=0)
    # pos_embed = self.pos_embedding(arange(seq)[None, :])
    pos_ids = jnp.arange(ids.shape[-1])[None, :]
    pos_embed = jnp.take(pos_table, pos_ids, axis=0)
    # dropout with p=0.0 (eval/identity)
    return (ids_embed, pos_embed)

if __name__ == "__main__":
    import jax
    _d = setup_inputs()
    print(jax.jit(kernel)(*tuple(_d.values())))

</pallas_src>

<mosaic_0001>
#map = affine_map<(d0, d1) -> (0)>
#map1 = affine_map<(d0, d1) -> (0, 0)>
module attributes {stable_mosaic.version = 14 : i64} {
  func.func @_body(%arg0: i32, %arg1: i32, %arg2: memref<819200xi32, #tpu.memory_space<hbm>>, %arg3: memref<100000x128xf32, #tpu.memory_space<hbm>>, %arg4: memref<512x128xf32, #tpu.memory_space<hbm>>, %arg5: memref<819200x128xf32, #tpu.memory_space<hbm>>, %arg6: memref<200x128xf32, #tpu.memory_space<hbm>>, %arg7: memref<25600xi32, #tpu.memory_space<vmem>>, %arg8: memref<200x128xf32, #tpu.memory_space<vmem>>, %arg9: memref<200x128xf32, #tpu.memory_space<vmem>>, %arg10: memref<200x128xf32, #tpu.memory_space<vmem>>, %arg11: memref<200x128xf32, #tpu.memory_space<vmem>>, %arg12: memref<!tpu.dma_semaphore, #tpu.memory_space<semaphore_mem>>, %arg13: memref<!tpu.dma_semaphore, #tpu.memory_space<semaphore_mem>>, %arg14: memref<!tpu.dma_semaphore, #tpu.memory_space<semaphore_mem>>, %arg15: memref<!tpu.dma_semaphore, #tpu.memory_space<semaphore_mem>>, %arg16: memref<!tpu.dma_semaphore, #tpu.memory_space<semaphore_mem>>, %arg17: memref<!tpu.dma_semaphore, #tpu.memory_space<semaphore_mem>>, %arg18: memref<!tpu.dma_semaphore, #tpu.memory_space<semaphore_mem>>, %arg19: memref<!tpu.dma_semaphore, #tpu.memory_space<semaphore_mem>>) attributes {dimension_semantics = [#tpu.dimension_semantics<core_parallel>, #tpu.dimension_semantics<subcore_parallel>], iteration_bounds = array<i64: 2, 16>, scalar_prefetch = 0 : i64, scratch_operands = 13 : i64, tpu.core_type = #tpu.core_type<sc_vector_subcore>, window_params = [{transform_indices = #map}, {transform_indices = #map1}, {transform_indices = #map1}, {transform_indices = #map1}, {transform_indices = #map1}]} {
    %mul3A = arith.constant 2 : i32
    %mul3A_0 = arith.muli %arg1, %mul3A : i32
    %add3A = arith.addi %mul3A_0, %arg0 : i32
    %eq3A = arith.constant 0 : i32
    %eq3A_1 = arith.cmpi eq, %add3A, %eq3A : i32
    %convert_element_type3A = arith.extui %eq3A_1 : i1 to i32
    %cond3A = arith.constant 0 : i32
    %cond3A_2 = arith.cmpi ne, %convert_element_type3A, %cond3A : i32
    scf.if %cond3A_2 {
      "tpu.region"() ({
        %run_scoped3A = tpu.sem_alloc : memref<!tpu.dma_semaphore, #tpu.memory_space<semaphore_mem>>
        %dma_start3A_34 = arith.constant 0 : i32
        %dma_start3A_35 = arith.constant 0 : i32
        %dma_start3A_36 = tpu.memref_slice %arg8[%dma_start3A_34, %dma_start3A_35] : memref<200x128xf32, #tpu.memory_space<vmem>> -> memref<128x128xf32, #tpu.memory_space<vmem>>
        %dma_start3A_37 = arith.constant 0 : i32
        %dma_start3A_38 = arith.constant 0 : i32
        %dma_start3A_39 = tpu.memref_slice %arg4[%dma_start3A_37, %dma_start3A_38] : memref<512x128xf32, #tpu.memory_space<hbm>> -> memref<128x128xf32, #tpu.memory_space<hbm>>
        %dma_start3A_40 = arith.constant 0 : i32
        %dma_start3A_41 = arith.constant 0 : i32
        %dma_start3A_42 = tpu.memref_slice %arg8[%dma_start3A_40, %dma_start3A_41] : memref<200x128xf32, #tpu.memory_space<vmem>> -> memref<128x128xf32, #tpu.memory_space<vmem>>
        %dma_start3A_43 = arith.constant 0 : i32
        %dma_start3A_44 = arith.constant 0 : i32
        %dma_start3A_45 = tpu.memref_slice %arg4[%dma_start3A_43, %dma_start3A_44] : memref<512x128xf32, #tpu.memory_space<hbm>> -> memref<128x128xf32, #tpu.memory_space<hbm>>
        tpu.enqueue_dma source(%dma_start3A_45 : memref<128x128xf32, #tpu.memory_space<hbm>>) target(%dma_start3A_42 : memref<128x128xf32, #tpu.memory_space<vmem>>) target_semaphore(%run_scoped3A : memref<!tpu.dma_semaphore, #tpu.memory_space<semaphore_mem>>)
        %dma_wait3A_46 = arith.constant 0 : i32
        %dma_wait3A_47 = arith.constant 0 : i32
        %dma_wait3A_48 = tpu.memref_slice %arg8[%dma_wait3A_46, %dma_wait3A_47] : memref<200x128xf32, #tpu.memory_space<vmem>> -> memref<128x128xf32, #tpu.memory_space<vmem>>
        %dma_wait3A_49 = arith.constant 0 : i32
        %dma_wait3A_50 = arith.constant 0 : i32
        %dma_wait3A_51 = tpu.memref_slice %arg4[%dma_wait3A_49, %dma_wait3A_50] : memref<512x128xf32, #tpu.memory_space<hbm>> -> memref<128x128xf32, #tpu.memory_space<hbm>>
        %dma_wait3A_52 = arith.constant 0 : i32
        %dma_wait3A_53 = arith.constant 0 : i32
        %dma_wait3A_54 = tpu.memref_slice %arg8[%dma_wait3A_52, %dma_wait3A_53] : memref<200x128xf32, #tpu.memory_space<vmem>> -> memref<128x128xf32, #tpu.memory_space<vmem>>
        %dma_wait3A_55 = arith.constant 0 : i32
        %dma_wait3A_56 = arith.constant 0 : i32
        %dma_wait3A_57 = tpu.memref_slice %arg4[%dma_wait3A_55, %dma_wait3A_56] : memref<512x128xf32, #tpu.memory_space<hbm>> -> memref<128x128xf32, #tpu.memory_space<hbm>>
        tpu.wait_dma2 semaphore(%run_scoped3A : memref<!tpu.dma_semaphore, #tpu.memory_space<semaphore_mem>>) src(%dma_wait3A_57 : memref<128x128xf32, #tpu.memory_space<hbm>>) dst(%dma_wait3A_54 : memref<128x128xf32, #tpu.memory_space<vmem>>)
        tpu.yield
      }) : () -> ()
      "tpu.region"() ({
        %run_scoped3A = tpu.sem_alloc : memref<!tpu.dma_semaphore, #tpu.memory_space<semaphore_mem>>
        %dma_start3A_34 = arith.constant 0 : i32
        %dma_start3A_35 = arith.constant 0 : i32
        %dma_start3A_36 = tpu.memref_slice %arg8[%dma_start3A_34, %dma_start3A_35] : memref<200x128xf32, #tpu.memory_space<vmem>> -> memref<128x128xf32, #tpu.memory_space<vmem>>
        %dma_start3A_37 = arith.constant 0 : i32
        %dma_start3A_38 = arith.constant 0 : i32
        %dma_start3A_39 = tpu.memref_slice %arg6[%dma_start3A_37, %dma_start3A_38] : memref<200x128xf32, #tpu.memory_space<hbm>> -> memref<128x128xf32, #tpu.memory_space<hbm>>
        %dma_start3A_40 = arith.constant 0 : i32
        %dma_start3A_41 = arith.constant 0 : i32
        %dma_start3A_42 = tpu.memref_slice %arg6[%dma_start3A_40, %dma_start3A_41] : memref<200x128xf32, #tpu.memory_space<hbm>> -> memref<128x128xf32, #tpu.memory_space<hbm>>
        %dma_start3A_43 = arith.constant 0 : i32
        %dma_start3A_44 = arith.constant 0 : i32
        %dma_start3A_45 = tpu.memref_slice %arg8[%dma_start3A_43, %dma_start3A_44] : memref<200x128xf32, #tpu.memory_space<vmem>> -> memref<128x128xf32, #tpu.memory_space<vmem>>
        tpu.enqueue_dma source(%dma_start3A_45 : memref<128x128xf32, #tpu.memory_space<vmem>>) target(%dma_start3A_42 : memref<128x128xf32, #tpu.memory_space<hbm>>) target_semaphore(%run_scoped3A : memref<!tpu.dma_semaphore, #tpu.memory_space<semaphore_mem>>)
        %dma_wait3A_46 = arith.constant 0 : i32
        %dma_wait3A_47 = arith.constant 0 : i32
        %dma_wait3A_48 = tpu.memref_slice %arg8[%dma_wait3A_46, %dma_wait3A_47] : memref<200x128xf32, #tpu.memory_space<vmem>> -> memref<128x128xf32, #tpu.memory_space<vmem>>
        %dma_wait3A_49 = arith.constant 0 : i32
        %dma_wait3A_50 = arith.constant 0 : i32
        %dma_wait3A_51 = tpu.memref_slice %arg6[%dma_wait3A_49, %dma_wait3A_50] : memref<200x128xf32, #tpu.memory_space<hbm>> -> memref<128x128xf32, #tpu.memory_space<hbm>>
        %dma_wait3A_52 = arith.constant 0 : i32
        %dma_wait3A_53 = arith.constant 0 : i32
        %dma_wait3A_54 = tpu.memref_slice %arg6[%dma_wait3A_52, %dma_wait3A_53] : memref<200x128xf32, #tpu.memory_space<hbm>> -> memref<128x128xf32, #tpu.memory_space<hbm>>
        %dma_wait3A_55 = arith.constant 0 : i32
        %dma_wait3A_56 = arith.constant 0 : i32
        %dma_wait3A_57 = tpu.memref_slice %arg8[%dma_wait3A_55, %dma_wait3A_56] : memref<200x128xf32, #tpu.memory_space<vmem>> -> memref<128x128xf32, #tpu.memory_space<vmem>>
        tpu.wait_dma2 semaphore(%run_scoped3A : memref<!tpu.dma_semaphore, #tpu.memory_space<semaphore_mem>>) src(%dma_wait3A_57 : memref<128x128xf32, #tpu.memory_space<vmem>>) dst(%dma_wait3A_54 : memref<128x128xf32, #tpu.memory_space<hbm>>)
        tpu.yield
      }) : () -> ()
    } else {
    }
    %eq3A_3 = arith.constant 1 : i32
    %eq3A_4 = arith.cmpi eq, %add3A, %eq3A_3 : i32
    %convert_element_type3A_5 = arith.extui %eq3A_4 : i1 to i32
    %cond3A_6 = arith.constant 0 : i32
    %cond3A_7 = arith.cmpi ne, %convert_element_type3A_5, %cond3A_6 : i32
    scf.if %cond3A_7 {
      "tpu.region"() ({
        %run_scoped3A = tpu.sem_alloc : memref<!tpu.dma_semaphore, #tpu.memory_space<semaphore_mem>>
        %dma_start3A_34 = arith.constant 0 : i32
        %dma_start3A_35 = arith.constant 0 : i32
        %dma_start3A_36 = tpu.memref_slice %arg8[%dma_start3A_34, %dma_start3A_35] : memref<200x128xf32, #tpu.memory_space<vmem>> -> memref<72x128xf32, #tpu.memory_space<vmem>>
        %dma_start3A_37 = arith.constant 128 : i32
        %dma_start3A_38 = arith.constant 0 : i32
        %dma_start3A_39 = tpu.memref_slice %arg4[%dma_start3A_37, %dma_start3A_38] : memref<512x128xf32, #tpu.memory_space<hbm>> -> memref<72x128xf32, #tpu.memory_space<hbm>>
        %dma_start3A_40 = arith.constant 0 : i32
        %dma_start3A_41 = arith.constant 0 : i32
        %dma_start3A_42 = tpu.memref_slice %arg8[%dma_start3A_40, %dma_start3A_41] : memref<200x128xf32, #tpu.memory_space<vmem>> -> memref<72x128xf32, #tpu.memory_space<vmem>>
        %dma_start3A_43 = arith.constant 128 : i32
        %dma_start3A_44 = arith.constant 0 : i32
        %dma_start3A_45 = tpu.memref_slice %arg4[%dma_start3A_43, %dma_start3A_44] : memref<512x128xf32, #tpu.memory_space<hbm>> -> memref<72x128xf32, #tpu.memory_space<hbm>>
        tpu.enqueue_dma source(%dma_start3A_45 : memref<72x128xf32, #tpu.memory_space<hbm>>) target(%dma_start3A_42 : memref<72x128xf32, #tpu.memory_space<vmem>>) target_semaphore(%run_scoped3A : memref<!tpu.dma_semaphore, #tpu.memory_space<semaphore_mem>>)
        %dma_wait3A_46 = arith.constant 0 : i32
        %dma_wait3A_47 = arith.constant 0 : i32
        %dma_wait3A_48 = tpu.memref_slice %arg8[%dma_wait3A_46, %dma_wait3A_47] : memref<200x128xf32, #tpu.memory_space<vmem>> -> memref<72x128xf32, #tpu.memory_space<vmem>>
        %dma_wait3A_49 = arith.constant 128 : i32
        %dma_wait3A_50 = arith.constant 0 : i32
        %dma_wait3A_51 = tpu.memref_slice %arg4[%dma_wait3A_49, %dma_wait3A_50] : memref<512x128xf32, #tpu.memory_space<hbm>> -> memref<72x128xf32, #tpu.memory_space<hbm>>
        %dma_wait3A_52 = arith.constant 0 : i32
        %dma_wait3A_53 = arith.constant 0 : i32
        %dma_wait3A_54 = tpu.memref_slice %arg8[%dma_wait3A_52, %dma_wait3A_53] : memref<200x128xf32, #tpu.memory_space<vmem>> -> memref<72x128xf32, #tpu.memory_space<vmem>>
        %dma_wait3A_55 = arith.constant 128 : i32
        %dma_wait3A_56 = arith.constant 0 : i32
        %dma_wait3A_57 = tpu.memref_slice %arg4[%dma_wait3A_55, %dma_wait3A_56] : memref<512x128xf32, #tpu.memory_space<hbm>> -> memref<72x128xf32, #tpu.memory_space<hbm>>
        tpu.wait_dma2 semaphore(%run_scoped3A : memref<!tpu.dma_semaphore, #tpu.memory_space<semaphore_mem>>) src(%dma_wait3A_57 : memref<72x128xf32, #tpu.memory_space<hbm>>) dst(%dma_wait3A_54 : memref<72x128xf32, #tpu.memory_space<vmem>>)
        tpu.yield
      }) : () -> ()
      "tpu.region"() ({
        %run_scoped3A = tpu.sem_alloc : memref<!tpu.dma_semaphore, #tpu.memory_space<semaphore_mem>>
        %dma_start3A_34 = arith.constant 0 : i32
        %dma_start3A_35 = arith.constant 0 : i32
        %dma_start3A_36 = tpu.memref_slice %arg8[%dma_start3A_34, %dma_start3A_35] : memref<200x128xf32, #tpu.memory_space<vmem>> -> memref<72x128xf32, #tpu.memory_space<vmem>>
        %dma_start3A_37 = arith.constant 128 : i32
        %dma_start3A_38 = arith.constant 0 : i32
        %dma_start3A_39 = tpu.memref_slice %arg6[%dma_start3A_37, %dma_start3A_38] : memref<200x128xf32, #tpu.memory_space<hbm>> -> memref<72x128xf32, #tpu.memory_space<hbm>>
        %dma_start3A_40 = arith.constant 128 : i32
        %dma_start3A_41 = arith.constant 0 : i32
        %dma_start3A_42 = tpu.memref_slice %arg6[%dma_start3A_40, %dma_start3A_41] : memref<200x128xf32, #tpu.memory_space<hbm>> -> memref<72x128xf32, #tpu.memory_space<hbm>>
        %dma_start3A_43 = arith.constant 0 : i32
        %dma_start3A_44 = arith.constant 0 : i32
        %dma_start3A_45 = tpu.memref_slice %arg8[%dma_start3A_43, %dma_start3A_44] : memref<200x128xf32, #tpu.memory_space<vmem>> -> memref<72x128xf32, #tpu.memory_space<vmem>>
        tpu.enqueue_dma source(%dma_start3A_45 : memref<72x128xf32, #tpu.memory_space<vmem>>) target(%dma_start3A_42 : memref<72x128xf32, #tpu.memory_space<hbm>>) target_semaphore(%run_scoped3A : memref<!tpu.dma_semaphore, #tpu.memory_space<semaphore_mem>>)
        %dma_wait3A_46 = arith.constant 0 : i32
        %dma_wait3A_47 = arith.constant 0 : i32
        %dma_wait3A_48 = tpu.memref_slice %arg8[%dma_wait3A_46, %dma_wait3A_47] : memref<200x128xf32, #tpu.memory_space<vmem>> -> memref<72x128xf32, #tpu.memory_space<vmem>>
        %dma_wait3A_49 = arith.constant 128 : i32
        %dma_wait3A_50 = arith.constant 0 : i32
        %dma_wait3A_51 = tpu.memref_slice %arg6[%dma_wait3A_49, %dma_wait3A_50] : memref<200x128xf32, #tpu.memory_space<hbm>> -> memref<72x128xf32, #tpu.memory_space<hbm>>
        %dma_wait3A_52 = arith.constant 128 : i32
        %dma_wait3A_53 = arith.constant 0 : i32
        %dma_wait3A_54 = tpu.memref_slice %arg6[%dma_wait3A_52, %dma_wait3A_53] : memref<200x128xf32, #tpu.memory_space<hbm>> -> memref<72x128xf32, #tpu.memory_space<hbm>>
        %dma_wait3A_55 = arith.constant 0 : i32
        %dma_wait3A_56 = arith.constant 0 : i32
        %dma_wait3A_57 = tpu.memref_slice %arg8[%dma_wait3A_55, %dma_wait3A_56] : memref<200x128xf32, #tpu.memory_space<vmem>> -> memref<72x128xf32, #tpu.memory_space<vmem>>
        tpu.wait_dma2 semaphore(%run_scoped3A : memref<!tpu.dma_semaphore, #tpu.memory_space<semaphore_mem>>) src(%dma_wait3A_57 : memref<72x128xf32, #tpu.memory_space<vmem>>) dst(%dma_wait3A_54 : memref<72x128xf32, #tpu.memory_space<hbm>>)
        tpu.yield
      }) : () -> ()
    } else {
    }
    %mul3A_8 = arith.constant 25600 : i32
    %mul3A_9 = arith.muli %add3A, %mul3A_8 : i32
    "tpu.region"() ({
      %run_scoped3A = tpu.sem_alloc : memref<!tpu.dma_semaphore, #tpu.memory_space<semaphore_mem>>
      %dma_start3A_34 = tpu.memref_slice %arg2[%mul3A_9] : memref<819200xi32, #tpu.memory_space<hbm>> -> memref<25600xi32, #tpu.memory_space<hbm>>
      %dma_start3A_35 = tpu.memref_slice %arg2[%mul3A_9] : memref<819200xi32, #tpu.memory_space<hbm>> -> memref<25600xi32, #tpu.memory_space<hbm>>
      tpu.enqueue_dma source(%dma_start3A_35 : memref<25600xi32, #tpu.memory_space<hbm>>) target(%arg7 : memref<25600xi32, #tpu.memory_space<vmem>>) target_semaphore(%run_scoped3A : memref<!tpu.dma_semaphore, #tpu.memory_space<semaphore_mem>>)
      %dma_wait3A_36 = tpu.memref_slice %arg2[%mul3A_9] : memref<819200xi32, #tpu.memory_space<hbm>> -> memref<25600xi32, #tpu.memory_space<hbm>>
      %dma_wait3A_37 = tpu.memref_slice %arg2[%mul3A_9] : memref<819200xi32, #tpu.memory_space<hbm>> -> memref<25600xi32, #tpu.memory_space<hbm>>
      tpu.wait_dma2 semaphore(%run_scoped3A : memref<!tpu.dma_semaphore, #tpu.memory_space<semaphore_mem>>) src(%dma_wait3A_37 : memref<25600xi32, #tpu.memory_space<hbm>>) dst(%arg7 : memref<25600xi32, #tpu.memory_space<vmem>>)
      tpu.yield
    }) : () -> ()
    %mul3A_10 = arith.constant 25600 : i32
    %mul3A_11 = arith.muli %add3A, %mul3A_10 : i32
    %dma_start3A = arith.constant 0 : i32
    %dma_start3A_12 = tpu.memref_slice %arg7[%dma_start3A] : memref<25600xi32, #tpu.memory_space<vmem>> -> memref<200xi32, #tpu.memory_space<vmem>>
    %dma_start3A_13 = arith.constant 0 : i32
    %dma_start3A_14 = arith.constant 0 : i32
    %dma_start3A_15 = tpu.memref_slice %arg3[%dma_start3A_13, %dma_start3A_14] : memref<100000x128xf32, #tpu.memory_space<hbm>> -> memref<100000x128xf32, #tpu.memory_space<hbm>>
    tpu.enqueue_indirect_dma source(%dma_start3A_15 : memref<100000x128xf32, #tpu.memory_space<hbm>>) target(%arg8 : memref<200x128xf32, #tpu.memory_space<vmem>>) offsets(%dma_start3A_12 : memref<200xi32, #tpu.memory_space<vmem>>) semaphore(%arg12 : memref<!tpu.dma_semaphore, #tpu.memory_space<semaphore_mem>>)
    %dma_start3A_16 = arith.constant 200 : i32
    %dma_start3A_17 = tpu.memref_slice %arg7[%dma_start3A_16] : memref<25600xi32, #tpu.memory_space<vmem>> -> memref<200xi32, #tpu.memory_space<vmem>>
    %dma_start3A_18 = arith.constant 0 : i32
    %dma_start3A_19 = arith.constant 0 : i32
    %dma_start3A_20 = tpu.memref_slice %arg3[%dma_start3A_18, %dma_start3A_19] : memref<100000x128xf32, #tpu.memory_space<hbm>> -> memref<100000x128xf32, #tpu.memory_space<hbm>>
    tpu.enqueue_indirect_dma source(%dma_start3A_20 : memref<100000x128xf32, #tpu.memory_space<hbm>>) target(%arg9 : memref<200x128xf32, #tpu.memory_space<vmem>>) offsets(%dma_start3A_17 : memref<200xi32, #tpu.memory_space<vmem>>) semaphore(%arg13 : memref<!tpu.dma_semaphore, #tpu.memory_space<semaphore_mem>>)
    %dma_start3A_21 = arith.constant 400 : i32
    %dma_start3A_22 = tpu.memref_slice %arg7[%dma_start3A_21] : memref<25600xi32, #tpu.memory_space<vmem>> -> memref<200xi32, #tpu.memory_space<vmem>>
    %dma_start3A_23 = arith.constant 0 : i32
    %dma_start3A_24 = arith.constant 0 : i32
    %dma_start3A_25 = tpu.memref_slice %arg3[%dma_start3A_23, %dma_start3A_24] : memref<100000x128xf32, #tpu.memory_space<hbm>> -> memref<100000x128xf32, #tpu.memory_space<hbm>>
    tpu.enqueue_indirect_dma source(%dma_start3A_25 : memref<100000x128xf32, #tpu.memory_space<hbm>>) target(%arg10 : memref<200x128xf32, #tpu.memory_space<vmem>>) offsets(%dma_start3A_22 : memref<200xi32, #tpu.memory_space<vmem>>) semaphore(%arg14 : memref<!tpu.dma_semaphore, #tpu.memory_space<semaphore_mem>>)
    %scan3A = arith.constant 0 : i32
    %scan3A_26 = arith.constant 0 : i32
    %scan3A_27 = arith.constant 32 : i32
    %scan3A_28 = arith.addi %scan3A_26, %scan3A_27 : i32
    %scan3A_29 = arith.constant 1 : i32
    scf.for %scan3A_34 = %scan3A_26 to %scan3A_28 step %scan3A_29  : i32 {
      %mul3A_35 = arith.constant 4 : i32
      %mul3A_36 = arith.muli %scan3A_34, %mul3A_35 : i32
      %add3A_37 = arith.constant 0 : i32
      %add3A_38 = arith.addi %mul3A_36, %add3A_37 : i32
      %dma_wait3A_39 = arith.constant 0 : i32
      %dma_wait3A_40 = tpu.memref_slice %arg7[%dma_wait3A_39] : memref<25600xi32, #tpu.memory_space<vmem>> -> memref<200xi32, #tpu.memory_space<vmem>>
      %dma_wait3A_41 = arith.constant 0 : i32
      %dma_wait3A_42 = arith.constant 0 : i32
      %dma_wait3A_43 = tpu.memref_slice %arg3[%dma_wait3A_41, %dma_wait3A_42] : memref<100000x128xf32, #tpu.memory_space<hbm>> -> memref<100000x128xf32, #tpu.memory_space<hbm>>
      tpu.wait_indirect_dma semaphore(%arg12 : memref<!tpu.dma_semaphore, #tpu.memory_space<semaphore_mem>>) src(%dma_wait3A_43 : memref<100000x128xf32, #tpu.memory_space<hbm>>) dst(%arg8 : memref<200x128xf32, #tpu.memory_space<vmem>>)
      %mul3A_44 = arith.constant 200 : i32
      %mul3A_45 = arith.muli %add3A_38, %mul3A_44 : i32
      %add3A_46 = arith.addi %mul3A_11, %mul3A_45 : i32
      %dma_start3A_47 = arith.constant 0 : i32
      %dma_start3A_48 = tpu.memref_slice %arg5[%add3A_46, %dma_start3A_47] : memref<819200x128xf32, #tpu.memory_space<hbm>> -> memref<200x128xf32, #tpu.memory_space<hbm>>
      %dma_start3A_49 = arith.constant 0 : i32
      %dma_start3A_50 = tpu.memref_slice %arg5[%add3A_46, %dma_start3A_49] : memref<819200x128xf32, #tpu.memory_space<hbm>> -> memref<200x128xf32, #tpu.memory_space<hbm>>
      tpu.enqueue_dma source(%arg8 : memref<200x128xf32, #tpu.memory_space<vmem>>) target(%dma_start3A_50 : memref<200x128xf32, #tpu.memory_space<hbm>>) target_semaphore(%arg16 : memref<!tpu.dma_semaphore, #tpu.memory_space<semaphore_mem>>)
      %ge3A = arith.constant 1 : i32
      %ge3A_51 = arith.cmpi sge, %add3A_38, %ge3A : i32
      %convert_element_type3A_52 = arith.extui %ge3A_51 : i1 to i32
      %cond3A_53 = arith.constant 0 : i32
      %cond3A_54 = arith.cmpi ne, %convert_element_type3A_52, %cond3A_53 : i32
      scf.if %cond3A_54 {
        %dma_wait3A_145 = arith.constant 0 : i32
        %dma_wait3A_146 = tpu.memref_slice %arg5[%mul3A_11, %dma_wait3A_145] : memref<819200x128xf32, #tpu.memory_space<hbm>> -> memref<200x128xf32, #tpu.memory_space<hbm>>
        %dma_wait3A_147 = arith.constant 0 : i32
        %dma_wait3A_148 = tpu.memref_slice %arg5[%mul3A_11, %dma_wait3A_147] : memref<819200x128xf32, #tpu.memory_space<hbm>> -> memref<200x128xf32, #tpu.memory_space<hbm>>
        tpu.wait_dma2 semaphore(%arg19 : memref<!tpu.dma_semaphore, #tpu.memory_space<semaphore_mem>>) src(%arg11 : memref<200x128xf32, #tpu.memory_space<vmem>>) dst(%dma_wait3A_148 : memref<200x128xf32, #tpu.memory_space<hbm>>)
      } else {
      }
      %add3A_55 = arith.constant 3 : i32
      %add3A_56 = arith.addi %add3A_38, %add3A_55 : i32
      %lt3A = arith.constant 128 : i32
      %lt3A_57 = arith.cmpi slt, %add3A_56, %lt3A : i32
      %convert_element_type3A_58 = arith.extui %lt3A_57 : i1 to i32
      %cond3A_59 = arith.constant 0 : i32
      %cond3A_60 = arith.cmpi ne, %convert_element_type3A_58, %cond3A_59 : i32
      scf.if %cond3A_60 {
        %add3A_145 = arith.constant 3 : i32
        %add3A_146 = arith.addi %add3A_38, %add3A_145 : i32
        %mul3A_147 = arith.constant 200 : i32
        %mul3A_148 = arith.muli %add3A_146, %mul3A_147 : i32
        %dma_start3A_149 = tpu.memref_slice %arg7[%mul3A_148] : memref<25600xi32, #tpu.memory_space<vmem>> -> memref<200xi32, #tpu.memory_space<vmem>>
        %dma_start3A_150 = arith.constant 0 : i32
        %dma_start3A_151 = arith.constant 0 : i32
        %dma_start3A_152 = tpu.memref_slice %arg3[%dma_start3A_150, %dma_start3A_151] : memref<100000x128xf32, #tpu.memory_space<hbm>> -> memref<100000x128xf32, #tpu.memory_space<hbm>>
        tpu.enqueue_indirect_dma source(%dma_start3A_152 : memref<100000x128xf32, #tpu.memory_space<hbm>>) target(%arg11 : memref<200x128xf32, #tpu.memory_space<vmem>>) offsets(%dma_start3A_149 : memref<200xi32, #tpu.memory_space<vmem>>) semaphore(%arg15 : memref<!tpu.dma_semaphore, #tpu.memory_space<semaphore_mem>>)
      } else {
      }
      %mul3A_61 = arith.constant 4 : i32
      %mul3A_62 = arith.muli %scan3A_34, %mul3A_61 : i32
      %add3A_63 = arith.constant 1 : i32
      %add3A_64 = arith.addi %mul3A_62, %add3A_63 : i32
      %dma_wait3A_65 = arith.constant 0 : i32
      %dma_wait3A_66 = tpu.memref_slice %arg7[%dma_wait3A_65] : memref<25600xi32, #tpu.memory_space<vmem>> -> memref<200xi32, #tpu.memory_space<vmem>>
      %dma_wait3A_67 = arith.constant 0 : i32
      %dma_wait3A_68 = arith.constant 0 : i32
      %dma_wait3A_69 = tpu.memref_slice %arg3[%dma_wait3A_67, %dma_wait3A_68] : memref<100000x128xf32, #tpu.memory_space<hbm>> -> memref<100000x128xf32, #tpu.memory_space<hbm>>
      tpu.wait_indirect_dma semaphore(%arg13 : memref<!tpu.dma_semaphore, #tpu.memory_space<semaphore_mem>>) src(%dma_wait3A_69 : memref<100000x128xf32, #tpu.memory_space<hbm>>) dst(%arg9 : memref<200x128xf32, #tpu.memory_space<vmem>>)
      %mul3A_70 = arith.constant 200 : i32
      %mul3A_71 = arith.muli %add3A_64, %mul3A_70 : i32
      %add3A_72 = arith.addi %mul3A_11, %mul3A_71 : i32
      %dma_start3A_73 = arith.constant 0 : i32
      %dma_start3A_74 = tpu.memref_slice %arg5[%add3A_72, %dma_start3A_73] : memref<819200x128xf32, #tpu.memory_space<hbm>> -> memref<200x128xf32, #tpu.memory_space<hbm>>
      %dma_start3A_75 = arith.constant 0 : i32
      %dma_start3A_76 = tpu.memref_slice %arg5[%add3A_72, %dma_start3A_75] : memref<819200x128xf32, #tpu.memory_space<hbm>> -> memref<200x128xf32, #tpu.memory_space<hbm>>
      tpu.enqueue_dma source(%arg9 : memref<200x128xf32, #tpu.memory_space<vmem>>) target(%dma_start3A_76 : memref<200x128xf32, #tpu.memory_space<hbm>>) target_semaphore(%arg17 : memref<!tpu.dma_semaphore, #tpu.memory_space<semaphore_mem>>)
      %ge3A_77 = arith.constant 1 : i32
      %ge3A_78 = arith.cmpi sge, %add3A_64, %ge3A_77 : i32
      %convert_element_type3A_79 = arith.extui %ge3A_78 : i1 to i32
      %cond3A_80 = arith.constant 0 : i32
      %cond3A_81 = arith.cmpi ne, %convert_element_type3A_79, %cond3A_80 : i32
      scf.if %cond3A_81 {
        %dma_wait3A_145 = arith.constant 0 : i32
        %dma_wait3A_146 = tpu.memref_slice %arg5[%mul3A_11, %dma_wait3A_145] : memref<819200x128xf32, #tpu.memory_space<hbm>> -> memref<200x128xf32, #tpu.memory_space<hbm>>
        %dma_wait3A_147 = arith.constant 0 : i32
        %dma_wait3A_148 = tpu.memref_slice %arg5[%mul3A_11, %dma_wait3A_147] : memref<819200x128xf32, #tpu.memory_space<hbm>> -> memref<200x128xf32, #tpu.memory_space<hbm>>
        tpu.wait_dma2 semaphore(%arg16 : memref<!tpu.dma_semaphore, #tpu.memory_space<semaphore_mem>>) src(%arg8 : memref<200x128xf32, #tpu.memory_space<vmem>>) dst(%dma_wait3A_148 : memref<200x128xf32, #tpu.memory_space<hbm>>)
      } else {
      }
      %add3A_82 = arith.constant 3 : i32
      %add3A_83 = arith.addi %add3A_64, %add3A_82 : i32
      %lt3A_84 = arith.constant 128 : i32
      %lt3A_85 = arith.cmpi slt, %add3A_83, %lt3A_84 : i32
      %convert_element_type3A_86 = arith.extui %lt3A_85 : i1 to i32
      %cond3A_87 = arith.constant 0 : i32
      %cond3A_88 = arith.cmpi ne, %convert_element_type3A_86, %cond3A_87 : i32
      scf.if %cond3A_88 {
        %add3A_145 = arith.constant 3 : i32
        %add3A_146 = arith.addi %add3A_64, %add3A_145 : i32
        %mul3A_147 = arith.constant 200 : i32
        %mul3A_148 = arith.muli %add3A_146, %mul3A_147 : i32
        %dma_start3A_149 = tpu.memref_slice %arg7[%mul3A_148] : memref<25600xi32, #tpu.memory_space<vmem>> -> memref<200xi32, #tpu.memory_space<vmem>>
        %dma_start3A_150 = arith.constant 0 : i32
        %dma_start3A_151 = arith.constant 0 : i32
        %dma_start3A_152 = tpu.memref_slice %arg3[%dma_start3A_150, %dma_start3A_151] : memref<100000x128xf32, #tpu.memory_space<hbm>> -> memref<100000x128xf32, #tpu.memory_space<hbm>>
        tpu.enqueue_indirect_dma source(%dma_start3A_152 : memref<100000x128xf32, #tpu.memory_space<hbm>>) target(%arg8 : memref<200x128xf32, #tpu.memory_space<vmem>>) offsets(%dma_start3A_149 : memref<200xi32, #tpu.memory_space<vmem>>) semaphore(%arg12 : memref<!tpu.dma_semaphore, #tpu.memory_space<semaphore_mem>>)
      } else {
      }
      %mul3A_89 = arith.constant 4 : i32
      %mul3A_90 = arith.muli %scan3A_34, %mul3A_89 : i32
      %add3A_91 = arith.constant 2 : i32
      %add3A_92 = arith.addi %mul3A_90, %add3A_91 : i32
      %dma_wait3A_93 = arith.constant 0 : i32
      %dma_wait3A_94 = tpu.memref_slice %arg7[%dma_wait3A_93] : memref<25600xi32, #tpu.memory_space<vmem>> -> memref<200xi32, #tpu.memory_space<vmem>>
      %dma_wait3A_95 = arith.constant 0 : i32
      %dma_wait3A_96 = arith.constant 0 : i32
      %dma_wait3A_97 = tpu.memref_slice %arg3[%dma_wait3A_95, %dma_wait3A_96] : memref<100000x128xf32, #tpu.memory_space<hbm>> -> memref<100000x128xf32, #tpu.memory_space<hbm>>
      tpu.wait_indirect_dma semaphore(%arg14 : memref<!tpu.dma_semaphore, #tpu.memory_space<semaphore_mem>>) src(%dma_wait3A_97 : memref<100000x128xf32, #tpu.memory_space<hbm>>) dst(%arg10 : memref<200x128xf32, #tpu.memory_space<vmem>>)
      %mul3A_98 = arith.constant 200 : i32
      %mul3A_99 = arith.muli %add3A_92, %mul3A_98 : i32
      %add3A_100 = arith.addi %mul3A_11, %mul3A_99 : i32
      %dma_start3A_101 = arith.constant 0 : i32
      %dma_start3A_102 = tpu.memref_slice %arg5[%add3A_100, %dma_start3A_101] : memref<819200x128xf32, #tpu.memory_space<hbm>> -> memref<200x128xf32, #tpu.memory_space<hbm>>
      %dma_start3A_103 = arith.constant 0 : i32
      %dma_start3A_104 = tpu.memref_slice %arg5[%add3A_100, %dma_start3A_103] : memref<819200x128xf32, #tpu.memory_space<hbm>> -> memref<200x128xf32, #tpu.memory_space<hbm>>
      tpu.enqueue_dma source(%arg10 : memref<200x128xf32, #tpu.memory_space<vmem>>) target(%dma_start3A_104 : memref<200x128xf32, #tpu.memory_space<hbm>>) target_semaphore(%arg18 : memref<!tpu.dma_semaphore, #tpu.memory_space<semaphore_mem>>)
      %ge3A_105 = arith.constant 1 : i32
      %ge3A_106 = arith.cmpi sge, %add3A_92, %ge3A_105 : i32
      %convert_element_type3A_107 = arith.extui %ge3A_106 : i1 to i32
      %cond3A_108 = arith.constant 0 : i32
      %cond3A_109 = arith.cmpi ne, %convert_element_type3A_107, %cond3A_108 : i32
      scf.if %cond3A_109 {
        %dma_wait3A_145 = arith.constant 0 : i32
        %dma_wait3A_146 = tpu.memref_slice %arg5[%mul3A_11, %dma_wait3A_145] : memref<819200x128xf32, #tpu.memory_space<hbm>> -> memref<200x128xf32, #tpu.memory_space<hbm>>
        %dma_wait3A_147 = arith.constant 0 : i32
        %dma_wait3A_148 = tpu.memref_slice %arg5[%mul3A_11, %dma_wait3A_147] : memref<819200x128xf32, #tpu.memory_space<hbm>> -> memref<200x128xf32, #tpu.memory_space<hbm>>
        tpu.wait_dma2 semaphore(%arg17 : memref<!tpu.dma_semaphore, #tpu.memory_space<semaphore_mem>>) src(%arg9 : memref<200x128xf32, #tpu.memory_space<vmem>>) dst(%dma_wait3A_148 : memref<200x128xf32, #tpu.memory_space<hbm>>)
      } else {
      }
      %add3A_110 = arith.constant 3 : i32
      %add3A_111 = arith.addi %add3A_92, %add3A_110 : i32
      %lt3A_112 = arith.constant 128 : i32
      %lt3A_113 = arith.cmpi slt, %add3A_111, %lt3A_112 : i32
      %convert_element_type3A_114 = arith.extui %lt3A_113 : i1 to i32
      %cond3A_115 = arith.constant 0 : i32
      %cond3A_116 = arith.cmpi ne, %convert_element_type3A_114, %cond3A_115 : i32
      scf.if %cond3A_116 {
        %add3A_145 = arith.constant 3 : i32
        %add3A_146 = arith.addi %add3A_92, %add3A_145 : i32
        %mul3A_147 = arith.constant 200 : i32
        %mul3A_148 = arith.muli %add3A_146, %mul3A_147 : i32
        %dma_start3A_149 = tpu.memref_slice %arg7[%mul3A_148] : memref<25600xi32, #tpu.memory_space<vmem>> -> memref<200xi32, #tpu.memory_space<vmem>>
        %dma_start3A_150 = arith.constant 0 : i32
        %dma_start3A_151 = arith.constant 0 : i32
        %dma_start3A_152 = tpu.memref_slice %arg3[%dma_start3A_150, %dma_start3A_151] : memref<100000x128xf32, #tpu.memory_space<hbm>> -> memref<100000x128xf32, #tpu.memory_space<hbm>>
        tpu.enqueue_indirect_dma source(%dma_start3A_152 : memref<100000x128xf32, #tpu.memory_space<hbm>>) target(%arg9 : memref<200x128xf32, #tpu.memory_space<vmem>>) offsets(%dma_start3A_149 : memref<200xi32, #tpu.memory_space<vmem>>) semaphore(%arg13 : memref<!tpu.dma_semaphore, #tpu.memory_space<semaphore_mem>>)
      } else {
      }
      %mul3A_117 = arith.constant 4 : i32
      %mul3A_118 = arith.muli %scan3A_34, %mul3A_117 : i32
      %add3A_119 = arith.constant 3 : i32
      %add3A_120 = arith.addi %mul3A_118, %add3A_119 : i32
      %dma_wait3A_121 = arith.constant 0 : i32
      %dma_wait3A_122 = tpu.memref_slice %arg7[%dma_wait3A_121] : memref<25600xi32, #tpu.memory_space<vmem>> -> memref<200xi32, #tpu.memory_space<vmem>>
      %dma_wait3A_123 = arith.constant 0 : i32
      %dma_wait3A_124 = arith.constant 0 : i32
      %dma_wait3A_125 = tpu.memref_slice %arg3[%dma_wait3A_123, %dma_wait3A_124] : memref<100000x128xf32, #tpu.memory_space<hbm>> -> memref<100000x128xf32, #tpu.memory_space<hbm>>
      tpu.wait_indirect_dma semaphore(%arg15 : memref<!tpu.dma_semaphore, #tpu.memory_space<semaphore_mem>>) src(%dma_wait3A_125 : memref<100000x128xf32, #tpu.memory_space<hbm>>) dst(%arg11 : memref<200x128xf32, #tpu.memory_space<vmem>>)
      %mul3A_126 = arith.constant 200 : i32
      %mul3A_127 = arith.muli %add3A_120, %mul3A_126 : i32
      %add3A_128 = arith.addi %mul3A_11, %mul3A_127 : i32
      %dma_start3A_129 = arith.constant 0 : i32
      %dma_start3A_130 = tpu.memref_slice %arg5[%add3A_128, %dma_start3A_129] : memref<819200x128xf32, #tpu.memory_space<hbm>> -> memref<200x128xf32, #tpu.memory_space<hbm>>
      %dma_start3A_131 = arith.constant 0 : i32
      %dma_start3A_132 = tpu.memref_slice %arg5[%add3A_128, %dma_start3A_131] : memref<819200x128xf32, #tpu.memory_space<hbm>> -> memref<200x128xf32, #tpu.memory_space<hbm>>
      tpu.enqueue_dma source(%arg11 : memref<200x128xf32, #tpu.memory_space<vmem>>) target(%dma_start3A_132 : memref<200x128xf32, #tpu.memory_space<hbm>>) target_semaphore(%arg19 : memref<!tpu.dma_semaphore, #tpu.memory_space<semaphore_mem>>)
      %ge3A_133 = arith.constant 1 : i32
      %ge3A_134 = arith.cmpi sge, %add3A_120, %ge3A_133 : i32
      %convert_element_type3A_135 = arith.extui %ge3A_134 : i1 to i32
      %cond3A_136 = arith.constant 0 : i32
      %cond3A_137 = arith.cmpi ne, %convert_element_type3A_135, %cond3A_136 : i32
      scf.if %cond3A_137 {
        %dma_wait3A_145 = arith.constant 0 : i32
        %dma_wait3A_146 = tpu.memref_slice %arg5[%mul3A_11, %dma_wait3A_145] : memref<819200x128xf32, #tpu.memory_space<hbm>> -> memref<200x128xf32, #tpu.memory_space<hbm>>
        %dma_wait3A_147 = arith.constant 0 : i32
        %dma_wait3A_148 = tpu.memref_slice %arg5[%mul3A_11, %dma_wait3A_147] : memref<819200x128xf32, #tpu.memory_space<hbm>> -> memref<200x128xf32, #tpu.memory_space<hbm>>
        tpu.wait_dma2 semaphore(%arg18 : memref<!tpu.dma_semaphore, #tpu.memory_space<semaphore_mem>>) src(%arg10 : memref<200x128xf32, #tpu.memory_space<vmem>>) dst(%dma_wait3A_148 : memref<200x128xf32, #tpu.memory_space<hbm>>)
      } else {
      }
      %add3A_138 = arith.constant 3 : i32
      %add3A_139 = arith.addi %add3A_120, %add3A_138 : i32
      %lt3A_140 = arith.constant 128 : i32
      %lt3A_141 = arith.cmpi slt, %add3A_139, %lt3A_140 : i32
      %convert_element_type3A_142 = arith.extui %lt3A_141 : i1 to i32
      %cond3A_143 = arith.constant 0 : i32
      %cond3A_144 = arith.cmpi ne, %convert_element_type3A_142, %cond3A_143 : i32
      scf.if %cond3A_144 {
        %add3A_145 = arith.constant 3 : i32
        %add3A_146 = arith.addi %add3A_120, %add3A_145 : i32
        %mul3A_147 = arith.constant 200 : i32
        %mul3A_148 = arith.muli %add3A_146, %mul3A_147 : i32
        %dma_start3A_149 = tpu.memref_slice %arg7[%mul3A_148] : memref<25600xi32, #tpu.memory_space<vmem>> -> memref<200xi32, #tpu.memory_space<vmem>>
        %dma_start3A_150 = arith.constant 0 : i32
        %dma_start3A_151 = arith.constant 0 : i32
        %dma_start3A_152 = tpu.memref_slice %arg3[%dma_start3A_150, %dma_start3A_151] : memref<100000x128xf32, #tpu.memory_space<hbm>> -> memref<100000x128xf32, #tpu.memory_space<hbm>>
        tpu.enqueue_indirect_dma source(%dma_start3A_152 : memref<100000x128xf32, #tpu.memory_space<hbm>>) target(%arg10 : memref<200x128xf32, #tpu.memory_space<vmem>>) offsets(%dma_start3A_149 : memref<200xi32, #tpu.memory_space<vmem>>) semaphore(%arg14 : memref<!tpu.dma_semaphore, #tpu.memory_space<semaphore_mem>>)
      } else {
      }
    }
    %scan3A_30 = arith.constant 32 : i32
    %dma_wait3A = arith.constant 0 : i32
    %dma_wait3A_31 = tpu.memref_slice %arg5[%mul3A_11, %dma_wait3A] : memref<819200x128xf32, #tpu.memory_space<hbm>> -> memref<200x128xf32, #tpu.memory_space<hbm>>
    %dma_wait3A_32 = arith.constant 0 : i32
    %dma_wait3A_33 = tpu.memref_slice %arg5[%mul3A_11, %dma_wait3A_32] : memref<819200x128xf32, #tpu.memory_space<hbm>> -> memref<200x128xf32, #tpu.memory_space<hbm>>
    tpu.wait_dma2 semaphore(%arg19 : memref<!tpu.dma_semaphore, #tpu.memory_space<semaphore_mem>>) src(%arg11 : memref<200x128xf32, #tpu.memory_space<vmem>>) dst(%dma_wait3A_33 : memref<200x128xf32, #tpu.memory_space<hbm>>)
    return
  }
}

</mosaic_0001>

<sc_bundles>
// kernel: kernel.3.cloned.1.call-start
scs
__scs_entry_jumppad:
0x0: {  	(pc) =	sbr.rel $0x88, $3  }
0x1: {  	(tag) =	ssettag $0x0;
	lr =	simm.s32 $0x1  }
0x2: {  	[smem:$0x3F9E] =	sst lr;
	_ =	strace $0xD0000000  }
0x3: {  	_ = 	snop  }
0x4: {  	_ = 	snop  }
0x5: {  	_ = 	snop  }
0x6: {  	_ = 	snop  }
0x7: {  	_ = 	snop  }
__scs_overlays_trampoline_lowered:
0x8: {  	[smem:$0x3FAD] =	sst s0  }
0x9: {  	[smem:$0x3FAE] =	sst s1  }
0xa: {  	[smem:$0x3FAF] =	sst s2  }
0xb: {  	[smem:$0x3FB0] =	sst s3  }
0xc: {  	[smem:$0x3FB1] =	sst s4  }
0xd: {  	[smem:$0x3FB2] =	sst s5  }
0xe: {  	[smem:$0x3FB3] =	sst s6  }
0xf: {  	[smem:$0x3FB4] =	sst s7  }
0x10: {  	[smem:$0x3FB5] =	sst s8  }
0x11: {  	[smem:$0x3FB6] =	sst s9;
	s0 =	simm.s32 @!p0 $0x0  }
0x12: {  	s1 =	sld [smem:$0x3F9C];
	s0 =	simm.s32 @p0 $0x1  }
0x13: {  	[smem:$0x3FB7] =	sst s0;
	s0 =	simm.s32 @!p1 $0x0  }
0x14: {  	s2 =	sld [smem:$0x3F9B];
	s0 =	simm.s32 @p1 $0x1  }
0x15: {  	[smem:$0x3FB8] =	sst s0;
	s0 =	simm.s32 @!p2 $0x0  }
0x16: {  	s3 =	sld [smem:$0x3FDB];
	s0 =	simm.s32 @p2 $0x1  }
0x17: {  	s4 =	simm.s32 $0x1BF5;
	[smem:$0x3FBA] =	sst s0  }
0x18: {  	s0 =	sld [smem:$0x3F9D];
	_ =	swait.ge [sflag:s4], $0x0  }
0x19: {  	s7 =	sld [smem:$0x3F9E]  }
0x1a: {  	s8 =	sadd.s32 $0xFFFFE003, lr  }
0x1b: {  	s9 =	sadd.s32 $0xFFFFFEF7, lr;
	s5 =	simm.s32 $0xFFFFFFFF;
	p2 =	slt.u32 s8, $0xFFFFF086  }
0x1c: {  	p1 =	slt.u32 s9, $0xF7A;
	s5 =	simm.s32 @!p2 $0x0  }
0x1d: {  	s5 =	simm.s32 @p1 $0x1;
	p0 =	seq.s32 s7, s2  }
0x1e: {  	s7 =	smul.u32 @!p0 $0xF7A, s2;
	p2 =	seq.s32 @!p0 s5, $0x0  }
0x1f: {  	s9 =	smul.u32 $0xF7A, s1;
	s8 =	simm.s32 @!p0 $0x1BF5;
	p2 =	por !p2, p0  }
0x20: {  	[sflag:s8] =	ssyncset.s32 @!p0 $0xFFFFF086;
	s6 =	sadd.s32 @!p0 s3, s7;
	s7 =	simm.s32 @!p0 $0x108  }
0x21: {  	s3 =	sadd.s32 s3, s9;
	s6 =	sadd.s32 @!p0 $0x88, s6;
	s7 =	simm.s32 @p2 $0x1082  }
0x22: {  	[simem:s7], [sflag:s8] =	dma.local @!p0 [hbm:s6], $0xF7A  }
0x23: {  	s9 =	sor.u32 $0xD0000000, s2;
	s6 =	simm.s32 $0x108;
	_ =	swait.ge @!p0 [sflag:s8], $0x0  }
0x24: {  	s3 =	sadd.s32 $0x88, s3;
	s6 =	simm.s32 @!p1 $0x1082;
	[sflag:s4] =	ssyncset.s32 $0xFFFFF086  }
0x25: {  	[simem:s6], [sflag:s4] =	dma.local [hbm:s3], $0xF7A  }
0x26: {  	[smem:$0x3F9E] =	sst s1;
	(tag) =	ssettag s2;
	_ =	strace s9  }
0x27: {  	s1 =	sld [smem:$0x3FAE]  }
0x28: {  	s2 =	sld [smem:$0x3FAF]  }
0x29: {  	s4 =	sld [smem:$0x3FB1]  }
0x2a: {  	p0 =	seq.s32 s5, $0x0;
	s5 =	sld [smem:$0x3FB2]  }
0x2b: {  	s6 =	sld [smem:$0x3FB3]  }
0x2c: {  	s7 =	sld [smem:$0x3FB4]  }
0x2d: {  	s3 =	simm.s32 $0x108;
	s8 =	sld [smem:$0x3FB5]  }
0x2e: {  	s3 =	simm.s32 @!p0 $0x1082;
	s9 =	sld [smem:$0x3FB6]  }
0x2f: {  	lr =	sadd.s32 s0, s3;
	s0 =	sld [smem:$0x3FAD]  }
0x30: {  	s3 =	sld [smem:$0x3FB0]  }
0x31: {  	[smem:$0x3FB9] =	sst s10  }
0x32: {  	s10 =	sld [smem:$0x3FB7];
	_ =	sdelay $0x3  }
0x33: {  	p0 =	seq.s32 s10, $0x1;
	s10 =	sld [smem:$0x3FB9];
	_ =	sdelay $0x3  }
0x34: {  	[smem:$0x3FB9] =	sst s10  }
0x35: {  	s10 =	sld [smem:$0x3FB8];
	_ =	sdelay $0x3  }
0x36: {  	p1 =	seq.s32 s10, $0x1;
	s10 =	sld [smem:$0x3FB9];
	_ =	sdelay $0x3  }
0x37: {  	[smem:$0x3FB9] =	sst s10  }
0x38: {  	s10 =	sld [smem:$0x3FBA]  }
0x39: {  	_ = 	snop;
	(pc) =	sbr.ind lr, $3  }
0x3a: {  	_ = 	snop  }
0x3b: {  	_ = 	snop  }
0x3c: {  	p2 =	seq.s32 s10, $0x1;
	s10 =	sld [smem:$0x3FB9]  }
0x3d: {  	_ =	shalt  }
0x3e: {  	_ =	shalt  }
0x3f: {  	_ =	shalt  }
0x40: {  	_ =	shalt  }
0x41: {  	_ =	shalt  }
0x42: {  	_ =	shalt  }
0x43: {  	_ =	shalt  }
0x44: {  	_ =	shalt  }
0x45: {  	_ =	shalt  }
0x46: {  	_ =	shalt  }
0x47: {  	_ =	shalt  }
0x48: {  	_ =	shalt  }
0x49: {  	_ =	shalt  }
0x4a: {  	_ =	shalt  }
0x4b: {  	_ =	shalt  }
0x4c: {  	_ =	shalt  }
0x4d: {  	_ =	shalt  }
0x4e: {  	_ =	shalt  }
0x4f: {  	_ =	shalt  }
0x50: {  	_ =	shalt  }
0x51: {  	_ =	shalt  }
0x52: {  	_ =	shalt  }
0x53: {  	_ =	shalt  }
0x54: {  	_ =	shalt  }
0x55: {  	_ =	shalt  }
0x56: {  	_ =	shalt  }
0x57: {  	_ =	shalt  }
0x58: {  	_ =	shalt  }
0x59: {  	_ =	shalt  }
0x5a: {  	_ =	shalt  }
0x5b: {  	_ =	shalt  }
0x5c: {  	_ =	shalt  }
0x5d: {  	_ =	shalt  }
0x5e: {  	_ =	shalt  }
0x5f: {  	_ =	shalt  }
0x60: {  	_ =	shalt  }
0x61: {  	_ =	shalt  }
0x62: {  	_ =	shalt  }
0x63: {  	_ =	shalt  }
0x64: {  	_ =	shalt  }
0x65: {  	_ =	shalt  }
0x66: {  	_ =	shalt  }
0x67: {  	_ =	shalt  }
0x68: {  	_ =	shalt  }
0x69: {  	_ =	shalt  }
0x6a: {  	_ =	shalt  }
0x6b: {  	_ =	shalt  }
0x6c: {  	_ =	shalt  }
0x6d: {  	_ =	shalt  }
0x6e: {  	_ =	shalt  }
0x6f: {  	_ =	shalt  }
0x70: {  	_ =	shalt  }
0x71: {  	_ =	shalt  }
0x72: {  	_ =	shalt  }
0x73: {  	_ =	shalt  }
0x74: {  	_ =	shalt  }
0x75: {  	_ =	shalt  }
0x76: {  	_ =	shalt  }
0x77: {  	_ =	shalt  }
0x78: {  	_ =	shalt  }
0x79: {  	_ =	shalt  }
0x7a: {  	_ =	shalt  }
0x7b: {  	_ =	shalt  }
0x7c: {  	_ =	shalt  }
0x7d: {  	_ =	shalt  }
0x7e: {  	_ =	shalt  }
0x7f: {  	_ =	shalt  }
0x80: {  	_ =	shalt  }
0x81: {  	_ =	shalt  }
0x82: {  	_ =	shalt  }
0x83: {  	_ =	shalt  }
0x84: {  	_ =	shalt  }
0x85: {  	_ =	shalt  }
0x86: {  	_ =	shalt  }
0x87: {  	_ =	shalt  }
.Lfunc_end0:
.L_simem_size_0:
called_computation_lowered:
.L_overlay_start_0:
0x88: {  	s2 =	sld [smem:$0x3FD9]  }
0x89: {  	s3 =	sld [smem:$0x3FFE];
	_ =	sdelay $0x1  }
0x8a: {  	s1 =	srdreg.scid  }
0x8b: {  	s0 =	sand.u32 $0x1, s1  }
0x8c: {  	s14 =	sshll.u32 s0, $0xA;
	s2 =	sadd.s32 s3, s2  }
0x8d: {  	s2 =	sadd.s32 s2, s14  }
0x8e: {  	[smem:$0x3FC5] =	sst s2  }
0x8f: {  	_ = 	snop  }
0x90: {  	s2 =	sld [smem:$0x3FD0];
	_ =	sdelay $0x1  }
0x91: {  	s15 =	sld [smem:$0x3FC8]  }
0x92: {  	s5 =	simm.s32 $0xA;
	s6 =	simm.s32 $0x10;
	s4 =	sld [smem:$0x3FC7]  }
0x93: {  	[smem:s6], [sflag:s5] =	dma.local [hbm:s2], $0x1  }
0x94: {  	_ =	swait.eq [sflag:s5], $0x1  }
0x95: {  	[sflag:s5] =	ssyncset.done $0x0  }
0x96: {  	s16 =	sld [smem:$0x10];
	[sflag:s5] =	ssyncadd.s32 $0xFFFFFFFF  }
0x97: {  	s17 =	sld [smem:$0x11];
	(tm) =	ssettm $0x1  }
0x98: {  	s18 =	sld [smem:$0x3FFB];
	_ =	sdelay $0x3  }
0x99: {  	_ =	strace s18  }
0x9a: {  	s6 =	sld [smem:$0x3FFC];
	_ =	sdelay $0x3  }
0x9b: {  	_ =	strace s6  }
0x9c: {  	s6 =	sld [smem:$0x3FFD];
	_ =	sdelay $0x3  }
0x9d: {  	_ =	strace s6  }
0x9e: {  	_ =	strace $0x8FFFFFFF  }
0x9f: {  	s19 =	sld [smem:$0x3FDB];
	_ =	sdelay $0x1  }
0xa0: {  	s7 =	simm.s32 $_scs_section_size  }
0xa1: {  	s8 =	simm.s32 $_size__tile_overlayer_lowered;
	s9 =	simm.s32 $_tile_overlayer_lowered  }
0xa2: {  	s22 =	simm.s32 $0x1BFF;
	s21 =	sshll.u32 s9, $0x1;
	s6 =	sadd.s32 s7, s19  }
0xa3: {  	s10 =	simm.s32 $0x0;
	s20 =	sshll.u32 s8, $0x1;
	s8 =	sadd.s32 s21, s6  }
0xa4: {  	[timem:s10], [sflag:s22] =	dma.local [hbm:s8], s20  }
0xa5: {  	_ =	swait.ge [sflag:s22], s20  }
0xa6: {  	s7 =	ssub.s32 $0x0, s20;
	[sflag:s22] =	ssyncset.done $0x0  }
0xa7: {  	[sflag:s22] =	ssyncadd.s32 s7;
	_ =	sdelay $0x1  }
0xa8: {  	s23 =	simm.s32 $0x1B8B  }
0xa9: {  	_ =	swait.ge [sflag:s23], $0x1  }
0xaa: {  	[sflag:s23] =	ssyncset.done $0x0  }
0xab: {  	s25 =	simm.s32 $0x1B8E;
	s24 =	sld [smem:$0x3FFE];
	[sflag:s23] =	ssyncadd.s32 $0xFFFFFFFF  }
0xac: {  	s26 =	simm.s32 $execute0_lowered;
	[smem:$0x3FD2] =	sst s25  }
0xad: {  	s8 =	sshll.u32 s26, $0x1;
	_ =	strace $0x80000046;
	[dreg:$0x1] =	wrdreg $0xFFFFFFFF  }
0xae: {  	s28 =	simm.s32 $_size_execute0_lowered;
	s6 =	sadd.s32 s6, s8;
	[dreg:$0x0] =	wrdreg $0x0  }
0xaf: {  	s8 =	sshll.u32 s28, $0x1;
	[dreg:$0x2] =	wrdreg s6  }
0xb0: {  	[dreg:$0x3] =	wrdreg s8  }
0xb1: {  	[dreg:$0x4] =	wrdreg $0xC0  }
0xb2: {  	_ =	task [dreg:s10], $0x5FFFF  }
0xb3: {  	[dreg:$0x1] =	wrdreg $0xFFFFFFFF  }
0xb4: {  	[dreg:$0x0] =	wrdreg $0x60  }
0xb5: {  	[dreg:$0x2] =	wrdreg s24  }
0xb6: {  	[dreg:$0x3] =	wrdreg s15  }
0xb7: {  	[dreg:$0x4] =	wrdreg s4  }
0xb8: {  	[dreg:$0x5] =	wrdreg s16  }
0xb9: {  	[dreg:$0x6] =	wrdreg s17  }
0xba: {  	[dreg:$0x7] =	wrdreg $0x9  }
0xbb: {  	_ =	task.clear_ibuf [dreg:s10], $0x8FFFF;
	_ =	strace $0x90000046  }
0xbc: {  	s29 =	simm.s32 $0x9;
	_ =	strace $0x80000048  }
0xbd: {  	_ =	swait.ge [sflag:s29], $0x1  }
0xbe: {  	[sflag:s29] =	ssyncadd.s32 $0xFFFFFFFF  }
0xbf: {  	_ =	strace $0x90000048  }
0xc0: {  	_ =	sfence  }
0xc1: {  	s30 =	sld [smem:$0x0];
	_ =	sdelay $0x2  }
0xc2: {  	s31 =	sshll.u32 s1, $0xD;
	s1 =	sshrl.u32 s1, $0x2  }
0xc3: {  	s3 =	sand.u32 $0x4000, s31;
	s1 =	sadd.s32 s1, s30  }
0xc4: {  	s0 =	sor.u32 s3, s0;
	s1 =	sshll.u32 s1, $0x11  }
0xc5: {  	s0 =	sor.u32 s1, s0  }
0xc6: {  	s0 =	sadd.s32 $0x8F2B, s0  }
0xc7: {  	[sflag:s0] =	ssyncadd.remote.s32 $0x1  }
0xc8: {  	_ =	sfence.sel $0xFFFF  }
0xc9: {  	[dreg:$0x0] =	wrdreg $0xFFFFFFFF;
	(pc) =	sbr.abs _section_cstart, $3  }
0xca: {  	[dreg:$0x1] =	wrdreg $0xFFFFFFFF  }
0xcb: {  	_ =	task.clear_ibuf [dreg:s10], $0x2FFFF;
	_ =	strace $0x9FFFFFFF  }
0xcc: {  	(tm) =	ssettm $0x7FFFFFFF  }
0xcd: {  	_ =	shalt  }
tec
execute0_lowered:
.L_overlay_start_1:
0x0: {  	(tag) =	ssettag $0x1  }
0x1: {  	s0 =	rddreg [dreg:$0x0]  }
0x2: {  	s1 =	rddreg [dreg:$0x1]  }
0x3: {  	s11 =	rddreg [dreg:$0x2]  }
0x4: {  	s2 =	srdreg.scid;
	s4 =	rddreg [dreg:$0x3]  }
0x5: {  	s12 =	stileid.u32;
	s13 =	rddreg [dreg:$0x4];
	s5 =	simm.s32 $0x0  }
0x6: {  	s15 =	simm.s32 $0x9;
	s16 =	simm.s32 $0xC8;
	s17 =	simm.s32 $0x6400  }
0x7: {  	s18 =	simm.s32 $0xC800;
	s20 =	simm.s32 $0x12C00;
	s21 =	simm.s32 $0x1  }
0x8: {  	s28 =	simm.s32 $0x3;
	s29 =	simm.s32 $0x6;
	s31 =	simm.s32 $0x4  }
0x9: {  	s2 =	sand.u32 $0x1, s2;
	s3 =	sshll.u32 s12, $0x1;
	[smem:$0x7FF] =	sst s5  }
0xa: {  	s23 =	sadd.s32 $0x800, s11;
	s24 =	sadd.s32 $0x800, s13;
	s12 =	smul.u32 $0xC8000, s12  }
0xb: {  	s3 =	sor.u32 s2, s3;
	_ =	strace $0x80000047;
	[dreg:$0x6] =	wrdreg s23  }
0xc: {  	s6 =	ssub.s32 $0x2, s2;
	[dreg:$0x7] =	wrdreg s24;
	s2 =	smul.u32 $0x64000, s2  }
0xd: {  	s23 =	simm.s32 $0x19000;
	s24 =	simm.s32 $0x2;
	s9 =	smul.u32 $0x6400, s3  }
0xe: {  	s8 =	sshrl.u32 s6, $0x1;
	s25 =	smul.u32 $0x64000, s3;
	p0 =	seq.s32 s3, $0x1  }
0xf: {  	s10 =	ssub.s32 s6, s8;
	p1 =	sne.s32 @!p0 s3, $0x0;
	s3 =	simm.s32 $0x7  }
0x10: {  	s7 =	sshrl.u32 s9, $0x3;
	s26 =	sshll.u32 s9, $0x4;
	s9 =	smax.u32 s10, $0x1  }
.Ltmp0:
0x11: {  	s10 =	sadd.s32 s4, s25;
	p1 =	por p1, p0;
	(pc) =	sbr.rel .LBB2_1-.Ltmp0, $4  }
0x12: {  	s25 =	simm.s32 $0x5;
	s0 =	sadd.s32 s7, s0;
	s13 =	sadd.s32 $0x2580, s10  }
0x13: {  	s8 =	sadd.s32 $0x800, s0;
	s0 =	sadd.s32 s26, s4;
	s4 =	sadd.s32 s12, s4  }
0x14: {  	s11 =	sadd.s32 $0xC80, s0;
	s12 =	sadd.s32 $0x1900, s0;
	s30 =	sadd.s32 s2, s4  }
0x15: {  	s2 =	simm.s32 $0x8;
	s4 =	simm.s32 $0x0;
	s19 =	sadd.s32 $0x3200, s30  }
.LBB2_4:
0x16: {  	s4 =	sadd.s32 $0x1, s4  }
0x17: {  	p2 =	sne.s32 s4, s9  }
.Ltmp1:
0x18: {  	_ = 	snop;
	(pc) =	sbr.rel @!p2 .LBB2_5-.Ltmp1, $4  }
0x19: {  	_ = 	snop  }
0x1a: {  	_ =	swait.ge [sflag:s2], $0x6400  }
0x1b: {  	[sflag:s2] =	ssyncset.done $0x0  }
0x1c: {  	[sflag:s2] =	ssyncadd.s32 $0xFFFF9C00  }
.LBB2_1:
0x1d: {  	s14 =	simm.s32 @p0 $0x0  }
0x1e: {  	s22 =	simm.s32 @p0 $0x6400;
	s0 =	rddreg [dreg:$0x6];
	s26 =	simm.s32 @p0 $0x9  }
0x1f: {  	[tilespmem:s22], [sflag:$0x9] =	stream.linear.gather @p0 [hbm4b:s0+s14], $0x2400, $0x38;
	[tilespmem:$0x1F400] =	vst v63  }
0x20: {  	_ =	swait.ge @p0 [sflag:s26], $0x2400  }
0x21: {  	[sflag:s26] =	ssyncset.done @p0 $0x0  }
0x22: {  	s0 =	rddreg [dreg:$0x7];
	[sflag:s26] =	ssyncadd.s32 @p0 $0xFFFFDC00  }
0x23: {  	[hbm4b:s0+s14] =	stream.linear.scatter @p0 [tilespmem:s22], [sflag:$0x9], $0x2400, $0x38;
	[tilespmem:$0x1F400] =	vst v63  }
0x24: {  	_ =	swait.ge @p0 [sflag:s26], $0x2400  }
0x25: {  	[sflag:s26] =	ssyncset.done @p0 $0x0  }
0x26: {  	s14 =	simm.s32 @!p1 $0x0;
	[sflag:s26] =	ssyncadd.s32 @p0 $0xFFFFDC00  }
0x27: {  	s22 =	simm.s32 @!p1 $0x6400;
	s26 =	simm.s32 @!p1 $0x9;
	s0 =	rddreg [dreg:$0x2]  }
0x28: {  	[tilespmem:s22], [sflag:$0x9] =	stream.linear.gather @!p1 [hbm4b:s0+s14], $0x4000, $0x38;
	[tilespmem:$0x1F400] =	vst v63  }
0x29: {  	_ =	swait.ge @!p1 [sflag:s26], $0x4000  }
0x2a: {  	[sflag:s26] =	ssyncset.done @!p1 $0x0  }
0x2b: {  	[sflag:s26] =	ssyncadd.s32 @!p1 $0xFFFFC000  }
0x2c: {  	s0 =	rddreg [dreg:$0x4]  }
0x2d: {  	[hbm4b:s0+s14] =	stream.linear.scatter @!p1 [tilespmem:s22], [sflag:$0x9], $0x4000, $0x38;
	[tilespmem:$0x1F400] =	vst v63  }
0x2e: {  	_ =	swait.ge @!p1 [sflag:s26], $0x4000  }
0x2f: {  	[sflag:s26] =	ssyncset.done @!p1 $0x0  }
0x30: {  	[sflag:s26] =	ssyncadd.s32 @!p1 $0xFFFFC000  }
0x31: {  	[tilespmem:s5], [sflag:$0x9] =	stream.linear.gather [hbm4b:s8+s5], $0x6400, $0x38;
	[tilespmem:$0x1F400] =	vst v63  }
0x32: {  	_ =	swait.ge [sflag:s15], $0x6400  }
0x33: {  	[sflag:s15] =	ssyncset.done $0x0  }
0x34: {  	[sflag:s15] =	ssyncadd.s32 $0xFFFF9C00  }
0x35: {  	[tilespmem:s17], [sflag:$0x1] =	stream.indirect.gather [hbm4b:s1+s16], $0x80, s5, s16, $0xb8;
	[tilespmem:$0x1F400] =	vst v63  }
0x36: {  	_ = 	snop  }
0x37: {  	[tilespmem:s18], [sflag:$0x2] =	stream.indirect.gather [hbm4b:s1+s16], $0x80, s16, s16, $0xb8;
	[tilespmem:$0x1F400] =	vst v63  }
0x38: {  	s7 =	simm.s32 $0x190  }
0x39: {  	[tilespmem:s20], [sflag:$0x3] =	stream.indirect.gather [hbm4b:s1+s16], $0x80, s7, s16, $0xb8;
	[tilespmem:$0x1F400] =	vst v63  }
0x3a: {  	_ =	swait.ge [sflag:s21], $0x6400  }
0x3b: {  	[sflag:s21] =	ssyncset.done $0x0  }
0x3c: {  	[sflag:s21] =	ssyncadd.s32 $0xFFFF9C00  }
0x3d: {  	[hbm4b:s10+s5] =	stream.linear.scatter [tilespmem:s17], [sflag:$0x5], $0x6400, $0x38;
	[tilespmem:$0x1F400] =	vst v63  }
0x3e: {  	s14 =	simm.s32 $0x258  }
0x3f: {  	[tilespmem:s23], [sflag:$0x4] =	stream.indirect.gather [hbm4b:s1+s16], $0x80, s14, s16, $0xb8;
	[tilespmem:$0x1F400] =	vst v63  }
0x40: {  	_ =	swait.ge [sflag:s24], $0x6400  }
0x41: {  	[sflag:s24] =	ssyncset.done $0x0  }
0x42: {  	[sflag:s24] =	ssyncadd.s32 $0xFFFF9C00  }
0x43: {  	[hbm4b:s11+s5] =	stream.linear.scatter [tilespmem:s18], [sflag:$0x6], $0x6400, $0x38;
	[tilespmem:$0x1F400] =	vst v63  }
0x44: {  	_ =	swait.ge [sflag:s25], $0x6400  }
0x45: {  	[sflag:s25] =	ssyncset.done $0x0  }
0x46: {  	s22 =	simm.s32 $0x320;
	[sflag:s25] =	ssyncadd.s32 $0xFFFF9C00  }
0x47: {  	[tilespmem:s17], [sflag:$0x1] =	stream.indirect.gather [hbm4b:s1+s16], $0x80, s22, s16, $0xb8;
	[tilespmem:$0x1F400] =	vst v63  }
0x48: {  	_ =	swait.ge [sflag:s28], $0x6400  }
0x49: {  	[sflag:s28] =	ssyncset.done $0x0  }
0x4a: {  	[sflag:s28] =	ssyncadd.s32 $0xFFFF9C00  }
0x4b: {  	[hbm4b:s12+s5] =	stream.linear.scatter [tilespmem:s20], [sflag:$0x7], $0x6400, $0x38;
	[tilespmem:$0x1F400] =	vst v63  }
0x4c: {  	_ =	swait.ge [sflag:s29], $0x6400  }
0x4d: {  	[sflag:s29] =	ssyncset.done $0x0  }
0x4e: {  	s26 =	simm.s32 $0x3E8;
	[sflag:s29] =	ssyncadd.s32 $0xFFFF9C00  }
0x4f: {  	[tilespmem:s18], [sflag:$0x2] =	stream.indirect.gather [hbm4b:s1+s16], $0x80, s26, s16, $0xb8;
	[tilespmem:$0x1F400] =	vst v63  }
0x50: {  	_ =	swait.ge [sflag:s31], $0x6400  }
0x51: {  	[sflag:s31] =	ssyncset.done $0x0  }
0x52: {  	[sflag:s31] =	ssyncadd.s32 $0xFFFF9C00  }
0x53: {  	[hbm4b:s13+s5] =	stream.linear.scatter [tilespmem:s23], [sflag:$0x8], $0x6400, $0x38;
	[tilespmem:$0x1F400] =	vst v63  }
0x54: {  	_ =	swait.ge [sflag:s3], $0x6400  }
0x55: {  	s30 =	simm.s32 $0x4B0;
	[sflag:s3] =	ssyncset.done $0x0  }
0x56: {  	s14 =	smov.u32 s19;
	s22 =	simm.s32 $0x0;
	[sflag:s3] =	ssyncadd.s32 $0xFFFF9C00  }
0x57: {  	[tilespmem:s20], [sflag:$0x3] =	stream.indirect.gather [hbm4b:s1+s16], $0x80, s30, s16, $0xb8;
	[tilespmem:$0x1F400] =	vst v63  }
.LBB2_2:
0x58: {  	_ =	swait.ge [sflag:s21], $0x6400  }
0x59: {  	[sflag:s21] =	ssyncset.done $0x0  }
0x5a: {  	[sflag:s21] =	ssyncadd.s32 $0xFFFF9C00  }
0x5b: {  	[hbm4b:s14+s5] =	stream.linear.scatter [tilespmem:s17], [sflag:$0x5], $0x6400, $0x38;
	[tilespmem:$0x1F400] =	vst v63  }
0x5c: {  	_ =	swait.ge [sflag:s2], $0x6400  }
0x5d: {  	s26 =	sshra.s32 s22, $0x2;
	[sflag:s2] =	ssyncset.done $0x0  }
0x5e: {  	s30 =	sadd.s32 $0x578, s26;
	[sflag:s2] =	ssyncadd.s32 $0xFFFF9C00  }
0x5f: {  	[tilespmem:s23], [sflag:$0x4] =	stream.indirect.gather [hbm4b:s1+s16], $0x80, s30, s16, $0xb8;
	[tilespmem:$0x1F400] =	vst v63  }
0x60: {  	_ =	swait.ge [sflag:s24], $0x6400  }
0x61: {  	[sflag:s24] =	ssyncset.done $0x0  }
0x62: {  	s6 =	sadd.s32 $0xC80, s14;
	[sflag:s24] =	ssyncadd.s32 $0xFFFF9C00  }
0x63: {  	[hbm4b:s6+s5] =	stream.linear.scatter [tilespmem:s18], [sflag:$0x6], $0x6400, $0x38;
	[tilespmem:$0x1F400] =	vst v63  }
0x64: {  	p2 =	seq.s32 s22, $0x17700;
	_ =	swait.ge [sflag:s25], $0x6400  }
0x65: {  	s7 =	simm.s32 @!p2 $0x6400;
	s30 =	sshra.s32 @!p2 s22, $0x2;
	[sflag:s25] =	ssyncset.done $0x0  }
0x66: {  	s0 =	sadd.s32 @!p2 $0x640, s30;
	s6 =	simm.s32 @!p2 $0xC8;
	[sflag:s25] =	ssyncadd.s32 $0xFFFF9C00  }
0x67: {  	[tilespmem:s7], [sflag:$0x1] =	stream.indirect.gather @!p2 [hbm4b:s1+s6], $0x80, s0, s6, $0xb8;
	[tilespmem:$0x1F400] =	vst v63  }
0x68: {  	_ =	swait.ge [sflag:s28], $0x6400  }
0x69: {  	[sflag:s28] =	ssyncset.done $0x0  }
0x6a: {  	s7 =	sadd.s32 $0x1900, s14;
	[sflag:s28] =	ssyncadd.s32 $0xFFFF9C00  }
0x6b: {  	[hbm4b:s7+s5] =	stream.linear.scatter [tilespmem:s20], [sflag:$0x7], $0x6400, $0x38;
	[tilespmem:$0x1F400] =	vst v63  }
0x6c: {  	_ =	swait.ge [sflag:s29], $0x6400  }
0x6d: {  	[sflag:s29] =	ssyncset.done $0x0  }
0x6e: {  	s0 =	sadd.s32 @!p2 $0x708, s30;
	s7 =	simm.s32 @!p2 $0xC800;
	[sflag:s29] =	ssyncadd.s32 $0xFFFF9C00  }
0x6f: {  	[tilespmem:s7], [sflag:$0x2] =	stream.indirect.gather @!p2 [hbm4b:s1+s6], $0x80, s0, s6, $0xb8;
	[tilespmem:$0x1F400] =	vst v63  }
0x70: {  	_ =	swait.ge [sflag:s31], $0x6400  }
0x71: {  	[sflag:s31] =	ssyncset.done $0x0  }
.Ltmp2:
0x72: {  	s30 =	sadd.s32 $0x2580, s14;
	[sflag:s31] =	ssyncadd.s32 $0xFFFF9C00;
	(pc) =	sbr.rel @p2 .LBB2_4-.Ltmp2, $4  }
0x73: {  	[hbm4b:s30+s5] =	stream.linear.scatter [tilespmem:s23], [sflag:$0x8], $0x6400, $0x38;
	[tilespmem:$0x1F400] =	vst v63  }
0x74: {  	_ =	swait.ge [sflag:s3], $0x6400  }
0x75: {  	[sflag:s3] =	ssyncset.done $0x0  }
0x76: {  	[sflag:s3] =	ssyncadd.s32 $0xFFFF9C00  }
.Ltmp3:
0x77: {  	(pc) =	sbr.rel .LBB2_2-.Ltmp3, $3  }
0x78: {  	_ =	sdelay $0x1  }
0x79: {  	s0 =	sadd.s32 $0x7D0, s26;
	s22 =	sadd.s32 $0xC80, s22;
	s14 =	sadd.s32 $0x3200, s14  }
0x7a: {  	[tilespmem:s20], [sflag:$0x3] =	stream.indirect.gather [hbm4b:s1+s16], $0x80, s0, s16, $0xb8;
	[tilespmem:$0x1F400] =	vst v63  }
.LBB2_5:
0x7b: {  	_ =	sfence.sel $0x180000  }
0x7c: {  	[bflag:$0x0] =	sbarrier.arrive $0xFFFF  }
0x7d: {  	_ =	strace $0x90000047  }
0x7e: {  	s0 =	stileid.u32;
	[bflag:$0x2] =	sbarrier.arrive $0xFFFF  }
0x7f: {  	p0 =	sne.s32 s0, $0x0;
	s0 =	rddreg [dreg:$0x5]  }
0x80: {  	s0 =	sadd.s32 @!p0 $0x100000, s0  }
0x81: {  	[sflag:s0] =	ssyncadd.tile.s32 @!p0 $0x1;
	_ =	shalt  }
.Lfunc_end2:
_tile_overlayer_lowered:
.L_overlay_start_2:
0x82: {  	(tag) =	ssettag $0x2  }
0x83: {  	s0 =	rddreg [dreg:$0x0];
	s2 =	stileid.u32  }
0x84: {  	s1 =	rddreg [dreg:$0x1];
	p0 =	sne.s32 s2, $0x0  }
0x85: {  	s3 =	rddreg [dreg:$0x2];
	[bflag:$0x3] =	sbarrier.arrive $0xFFFF;
	s2 =	simm.s32 @!p0 $0x1C09  }
0x86: {  	[timem:s3], [sflag:s2] =	dma.local @!p0 [hbm:s0], s1  }
0x87: {  	s0 =	simm.s32 @!p0 $0x9  }
0x88: {  	_ =	swait.ge @!p0 [sflag:s0], s1  }
0x89: {  	s1 =	ssub.s32 @!p0 $0x0, s1;
	[sflag:s0] =	ssyncset.done @!p0 $0x0  }
0x8a: {  	[sflag:s0] =	ssyncadd.s32 @!p0 s1  }
0x8b: {  	[bflag:$0x3] =	sbarrier.arrive $0xFFFF  }
0x8c: {  	_ =	shalt  }

</sc_bundles>
